<compile_context>
chip_gen: v7x
topology: tpu7x:2x2x1
jax: 0.10.2.dev20260603
libtpu: 0.0.44.dev20260713+nightly
codegen_flags: <defaults>
</compile_context>

<pallas_src>
import functools

import jax
import jax.numpy as jnp
from jax import lax
from jax.experimental import pallas as pl
from jax.experimental.pallas import tpu as pltpu
from jax.experimental.pallas import tpu_sc as plsc

_B, _H, _W, _K = 4, 512, 512, 8
_P = 200000
_AMBIENT = 0.3
_DIFFUSE = 0.7
_SPECULAR = 0.2

_CB = 7168
_PP = ((_P + _CB - 1) // _CB) * _CB
_PTAB = _P + 1

_NPIX = _B * _H * _W
_NW = 32
_CH = 2048
_SPLIT = 8
_PER_TILE = _NPIX // _NW
_NCHUNK = _PER_TILE // _CH

def _shade_body(aux_ref, pt_ref, ft_ref, nm_ref, ci_ref, out_ref):
    lx0, ly0, lz0 = aux_ref[4, 0], aux_ref[4, 1], aux_ref[4, 2]
    lin = 1.0 / jnp.maximum(jnp.sqrt(lx0 * lx0 + ly0 * ly0 + lz0 * lz0), 1e-12)
    lx, ly, lz = lx0 * lin, ly0 * lin, lz0 * lin

    ci = ci_ref[0:1, :]
    px, py, pz = pt_ref[0:1, :], pt_ref[1:2, :], pt_ref[2:3, :]
    nx, ny, nz = nm_ref[0:1, :], nm_ref[1:2, :], nm_ref[2:3, :]

    def pick(c):
        return jnp.where(
            ci == 0, aux_ref[0, c],
            jnp.where(ci == 1, aux_ref[1, c],
                      jnp.where(ci == 2, aux_ref[2, c], aux_ref[3, c])))

    vx = pick(0) - px
    vy = pick(1) - py
    vz = pick(2) - pz
    vinv = 1.0 / jnp.maximum(jnp.sqrt(vx * vx + vy * vy + vz * vz), 1e-12)
    vx, vy, vz = vx * vinv, vy * vinv, vz * vinv

    hx, hy, hz = lx + vx, ly + vy, lz + vz
    hinv = 1.0 / jnp.maximum(jnp.sqrt(hx * hx + hy * hy + hz * hz), 1e-12)
    hx, hy, hz = hx * hinv, hy * hinv, hz * hinv

    ndl = nx * lx + ny * ly + nz * lz
    base = _AMBIENT + _DIFFUSE * jnp.maximum(ndl, 0.0)

    ndh = jnp.maximum(nx * hx + ny * hy + nz * hz, 0.0)
    m2 = ndh * ndh
    m4 = m2 * m2
    m8 = m4 * m4
    m16 = m8 * m8
    spec = _SPECULAR * (m16 * m16)

    out_ref[...] = jnp.clip(ft_ref[...] * base + spec, 0.0, 1.0)


def _shade_table(points_t, features_t, normals_t, cloud_idx2, aux):
    grid = _PP // _CB
    return pl.pallas_call(
        _shade_body,
        grid=(grid,),
        in_specs=[
            pl.BlockSpec((8, 128), lambda i: (0, 0)),
            pl.BlockSpec((3, _CB), lambda i: (0, i)),
            pl.BlockSpec((3, _CB), lambda i: (0, i)),
            pl.BlockSpec((3, _CB), lambda i: (0, i)),
            pl.BlockSpec((1, _CB), lambda i: (0, i)),
        ],
        out_specs=pl.BlockSpec((3, _CB), lambda i: (0, i)),
        out_shape=jax.ShapeDtypeStruct((3, _PP), jnp.float32),
    )(aux, points_t, features_t, normals_t, cloud_idx2)


def _make_gather_kernel():
    mesh = plsc.VectorSubcoreMesh(core_axis_name="c", subcore_axis_name="s")

    @functools.partial(
        pl.kernel,
        out_type=jax.ShapeDtypeStruct((_NPIX, 2), jnp.float32),
        mesh=mesh,
        compiler_params=pltpu.CompilerParams(use_tc_tiling_on_sc=False),
        scratch_types=[
            pltpu.VMEM((_CH,), jnp.int32),
            pltpu.VMEM((_CH, 2), jnp.float32),
            pltpu.SemaphoreType.DMA,
            pltpu.SemaphoreType.DMA,
            pltpu.SemaphoreType.DMA,
        ],
    )
    def gather_k(table_hbm, idx_hbm, out_hbm, iv, rv, si, sg, so):
        wid = lax.axis_index("s") * 2 + lax.axis_index("c")
        tb = wid * _PER_TILE
        sub = _CH // _SPLIT

        def body(c, carry):
            src = idx_hbm.at[pl.ds(tb + c * _CH, _CH)]
            pltpu.async_copy(src, iv, si)
            pltpu.make_async_copy(src, iv, si).wait()
            for k in range(_SPLIT):
                pltpu.async_copy(
                    table_hbm.at[iv.at[pl.ds(k * sub, sub)]],
                    rv.at[pl.ds(k * sub, sub)], sg)
            for k in range(_SPLIT):
                pltpu.make_async_copy(
                    table_hbm.at[iv.at[pl.ds(k * sub, sub)]],
                    rv.at[pl.ds(k * sub, sub)], sg).wait()
            dst = out_hbm.at[pl.ds(tb + c * _CH, _CH)]
            pltpu.async_copy(rv, dst, so)
            pltpu.make_async_copy(rv, dst, so).wait()
            return carry

        lax.fori_loop(0, _NCHUNK, body, 0)

    return gather_k


_gather_rows = _make_gather_kernel()


def kernel(idx, points, features, normals, cloud_idx, cam_centers, light_dir):
    pad = _PP - _P
    pts_t = jnp.pad(points, ((0, pad), (0, 0))).T
    ft_t = jnp.pad(features, ((0, pad), (0, 0))).T
    nm_t = jnp.pad(normals, ((0, pad), (0, 0))).T
    ci2 = jnp.pad(cloud_idx.astype(jnp.int32), (0, pad)).reshape(1, _PP)
    aux = jnp.zeros((8, 128), jnp.float32)
    aux = aux.at[:4, :3].set(cam_centers).at[4, :3].set(light_dir)

    shaded = _shade_table(pts_t, ft_t, nm_t, ci2, aux)

    sh16 = shaded[:, :_P].astype(jnp.bfloat16)
    zero = jnp.zeros((1, _P), jnp.bfloat16)
    quad = jnp.stack([sh16[0], sh16[1], sh16[2], zero[0]], axis=1)
    bgq = jnp.ones((1, 4), jnp.bfloat16).at[0, 3].set(0)
    quad = jnp.concatenate([bgq, quad], axis=0)
    table = lax.bitcast_convert_type(
        quad.reshape(_PTAB, 2, 2), jnp.float32)

    idx0 = idx[..., 0].reshape(_NPIX)
    v = jnp.where(idx0 < 0, 0, idx0 + 1)
    out2 = _gather_rows(table, v)

    out4 = lax.bitcast_convert_type(out2, jnp.bfloat16).reshape(_NPIX, 4)
    return out4[:, :3].astype(jnp.float32).reshape(_B, _H, _W, 3)

# --- scband reference (transcript-rebuilt; emitter-appended) ---
"""Pipeline reference for scband-phong-circle-renderer-76879914598772 (READ-ONLY COPY).

The authoritative reference and input builder live on the scoring server;
editing this copy changes nothing except your own understanding.
"""

import jax, jax.numpy as jnp
import numpy as np

B, H, W, K = 4, 512, 512, 8
P = 200000
AMBIENT = 0.3
DIFFUSE = 0.7
SPECULAR = 0.2
SHININESS = 32.0
BG = jnp.array([1.0, 1.0, 1.0], dtype=jnp.float32)


def _normalize(v):
    return v / jnp.clip(jnp.linalg.norm(v, axis=-1, keepdims=True), 1e-12, None)


def setup_inputs(seed: int = 0) -> dict:
    key = jax.random.key(seed)
    ks = jax.random.split(key, 8)
    idx = jax.random.randint(ks[0], (B, H, W, K), 0, P)
    # fragments.idx uses -1 for empty slots; mark ~25% of fragment slots empty
    empty = jax.random.uniform(ks[1], (B, H, W, K)) < 0.25
    idx = jnp.where(empty, -1, idx)
    points = jax.random.normal(ks[2], (P, 3), dtype=jnp.float32)
    features = jax.random.uniform(ks[3], (P, 3), dtype=jnp.float32)
    normals = jax.random.normal(ks[4], (P, 3), dtype=jnp.float32)
    normals = _normalize(normals)
    cloud_idx = jnp.sort(jax.random.randint(ks[5], (P,), 0, B))
    cam_centers = jax.random.normal(ks[6], (B, 3), dtype=jnp.float32) * 2.0
    light_dir = jax.random.normal(ks[7], (3,), dtype=jnp.float32)
    return {
        "idx": idx,
        "points": points,
        "features": features,
        "normals": normals,
        "cloud_idx": cloud_idx,
        "cam_centers": cam_centers,
        "light_dir": light_dir,
    }


def reference(idx, points, features, normals, cloud_idx, cam_centers, light_dir):
    # weights = (idx != -1).float().permute(0,3,1,2) ; indices = idx.permute(0,3,1,2)
    weights = (idx != -1).astype(jnp.float32).transpose(0, 3, 1, 2)  # (B,K,H,W)
    indices = idx.transpose(0, 3, 1, 2)  # (B,K,H,W)

    ld = _normalize(light_dir)
    n_dot_l = jnp.sum(normals * ld, axis=-1, keepdims=True)  # (P,1)
    diffuse_term = jnp.clip(n_dot_l, 0.0, None)

    # cameras provided: Blinn-Phong specular
    cam_c = cam_centers[cloud_idx]  # (P,3) gather by packed_to_cloud_idx
    view_dir = _normalize(cam_c - points)
    half_vec = _normalize(ld[None, :] + view_dir)
    n_dot_h = jnp.sum(normals * half_vec, axis=-1, keepdims=True)
    specular_term = jnp.power(jnp.clip(n_dot_h, 0.0, None), SHININESS)

    shaded = features * (AMBIENT + DIFFUSE * diffuse_term) + SPECULAR * specular_term
    shaded = jnp.clip(shaded, 0.0, 1.0)  # (P,C)
    feat_cp = shaded.T  # (C,P)

    # AlphaCompositor: front-to-back alpha compositing over K fragments
    safe_idx = jnp.clip(indices, 0, None)
    gathered = feat_cp[:, safe_idx]  # (C,B,K,H,W)
    one_minus = 1.0 - weights
    trans = jnp.cumprod(one_minus, axis=1)
    excl_trans = jnp.concatenate([jnp.ones_like(trans[:, :1]), trans[:, :-1]], axis=1)  # (B,K,H,W)
    contrib = weights * excl_trans
    images = jnp.sum(gathered * contrib[None], axis=2)  # (C,B,H,W)
    images = images.transpose(1, 0, 2, 3)  # (B,C,H,W)

    # background where no point covers the pixel (first fragment idx < 0)
    bg_mask = indices[:, 0] < 0  # (B,H,W)
    images = jnp.where(bg_mask[:, None, :, :], BG[None, :, None, None], images)
    return images.transpose(0, 2, 3, 1)  # (B,H,W,C)

if __name__ == "__main__":
    import jax
    _d = setup_inputs()
    print(jax.jit(kernel)(*tuple(_d.values())))

</pallas_src>

<mosaic_0001>
#map = affine_map<(d0, d1) -> (0, 0)>
#map1 = affine_map<(d0, d1) -> (0)>
module attributes {stable_mosaic.version = 14 : i64} {
  func.func @gather_k(%arg0: i32, %arg1: i32, %arg2: memref<200001x2xf32, #tpu.memory_space<hbm>>, %arg3: memref<1048576xi32, #tpu.memory_space<hbm>>, %arg4: memref<1048576x2xf32, #tpu.memory_space<hbm>>, %arg5: memref<2048xi32, #tpu.memory_space<vmem>>, %arg6: memref<2048x2xf32, #tpu.memory_space<vmem>>, %arg7: memref<!tpu.dma_semaphore, #tpu.memory_space<semaphore_mem>>, %arg8: memref<!tpu.dma_semaphore, #tpu.memory_space<semaphore_mem>>, %arg9: memref<!tpu.dma_semaphore, #tpu.memory_space<semaphore_mem>>) attributes {dimension_semantics = [#tpu.dimension_semantics<core_parallel>, #tpu.dimension_semantics<subcore_parallel>], iteration_bounds = array<i64: 2, 16>, scalar_prefetch = 0 : i64, scratch_operands = 5 : i64, tpu.core_type = #tpu.core_type<sc_vector_subcore>, window_params = [{transform_indices = #map}, {transform_indices = #map1}, {transform_indices = #map}]} {
    %mul3A = arith.constant 2 : i32
    %mul3A_0 = arith.muli %arg1, %mul3A : i32
    %add3A = arith.addi %mul3A_0, %arg0 : i32
    %mul3A_1 = arith.constant 32768 : i32
    %mul3A_2 = arith.muli %add3A, %mul3A_1 : i32
    %scan3A = arith.constant 0 : i32
    %scan3A_3 = arith.constant 0 : i32
    %scan3A_4 = arith.constant 16 : i32
    %scan3A_5 = arith.addi %scan3A_3, %scan3A_4 : i32
    %scan3A_6 = arith.constant 1 : i32
    scf.for %scan3A_8 = %scan3A_3 to %scan3A_5 step %scan3A_6  : i32 {
      %mul3A_9 = arith.constant 2048 : i32
      %mul3A_10 = arith.muli %scan3A_8, %mul3A_9 : i32
      %add3A_11 = arith.addi %mul3A_2, %mul3A_10 : i32
      %dma_start3A = tpu.memref_slice %arg3[%add3A_11] : memref<1048576xi32, #tpu.memory_space<hbm>> -> memref<2048xi32, #tpu.memory_space<hbm>>
      %dma_start3A_12 = tpu.memref_slice %arg3[%add3A_11] : memref<1048576xi32, #tpu.memory_space<hbm>> -> memref<2048xi32, #tpu.memory_space<hbm>>
      tpu.enqueue_dma source(%dma_start3A_12 : memref<2048xi32, #tpu.memory_space<hbm>>) target(%arg5 : memref<2048xi32, #tpu.memory_space<vmem>>) target_semaphore(%arg7 : memref<!tpu.dma_semaphore, #tpu.memory_space<semaphore_mem>>)
      %dma_wait3A = tpu.memref_slice %arg3[%add3A_11] : memref<1048576xi32, #tpu.memory_space<hbm>> -> memref<2048xi32, #tpu.memory_space<hbm>>
      %dma_wait3A_13 = tpu.memref_slice %arg3[%add3A_11] : memref<1048576xi32, #tpu.memory_space<hbm>> -> memref<2048xi32, #tpu.memory_space<hbm>>
      tpu.wait_dma2 semaphore(%arg7 : memref<!tpu.dma_semaphore, #tpu.memory_space<semaphore_mem>>) src(%dma_wait3A_13 : memref<2048xi32, #tpu.memory_space<hbm>>) dst(%arg5 : memref<2048xi32, #tpu.memory_space<vmem>>)
      %dma_start3A_14 = arith.constant 0 : i32
      %dma_start3A_15 = arith.constant 0 : i32
      %dma_start3A_16 = tpu.memref_slice %arg6[%dma_start3A_14, %dma_start3A_15] : memref<2048x2xf32, #tpu.memory_space<vmem>> -> memref<256x2xf32, #tpu.memory_space<vmem>>
      %dma_start3A_17 = arith.constant 0 : i32
      %dma_start3A_18 = tpu.memref_slice %arg5[%dma_start3A_17] : memref<2048xi32, #tpu.memory_space<vmem>> -> memref<256xi32, #tpu.memory_space<vmem>>
      %dma_start3A_19 = arith.constant 0 : i32
      %dma_start3A_20 = arith.constant 0 : i32
      %dma_start3A_21 = tpu.memref_slice %arg2[%dma_start3A_19, %dma_start3A_20] : memref<200001x2xf32, #tpu.memory_space<hbm>> -> memref<200001x2xf32, #tpu.memory_space<hbm>>
      tpu.enqueue_indirect_dma source(%dma_start3A_21 : memref<200001x2xf32, #tpu.memory_space<hbm>>) target(%dma_start3A_16 : memref<256x2xf32, #tpu.memory_space<vmem>>) offsets(%dma_start3A_18 : memref<256xi32, #tpu.memory_space<vmem>>) semaphore(%arg8 : memref<!tpu.dma_semaphore, #tpu.memory_space<semaphore_mem>>)
      %dma_start3A_22 = arith.constant 256 : i32
      %dma_start3A_23 = arith.constant 0 : i32
      %dma_start3A_24 = tpu.memref_slice %arg6[%dma_start3A_22, %dma_start3A_23] : memref<2048x2xf32, #tpu.memory_space<vmem>> -> memref<256x2xf32, #tpu.memory_space<vmem>>
      %dma_start3A_25 = arith.constant 256 : i32
      %dma_start3A_26 = tpu.memref_slice %arg5[%dma_start3A_25] : memref<2048xi32, #tpu.memory_space<vmem>> -> memref<256xi32, #tpu.memory_space<vmem>>
      %dma_start3A_27 = arith.constant 0 : i32
      %dma_start3A_28 = arith.constant 0 : i32
      %dma_start3A_29 = tpu.memref_slice %arg2[%dma_start3A_27, %dma_start3A_28] : memref<200001x2xf32, #tpu.memory_space<hbm>> -> memref<200001x2xf32, #tpu.memory_space<hbm>>
      tpu.enqueue_indirect_dma source(%dma_start3A_29 : memref<200001x2xf32, #tpu.memory_space<hbm>>) target(%dma_start3A_24 : memref<256x2xf32, #tpu.memory_space<vmem>>) offsets(%dma_start3A_26 : memref<256xi32, #tpu.memory_space<vmem>>) semaphore(%arg8 : memref<!tpu.dma_semaphore, #tpu.memory_space<semaphore_mem>>)
      %dma_start3A_30 = arith.constant 512 : i32
      %dma_start3A_31 = arith.constant 0 : i32
      %dma_start3A_32 = tpu.memref_slice %arg6[%dma_start3A_30, %dma_start3A_31] : memref<2048x2xf32, #tpu.memory_space<vmem>> -> memref<256x2xf32, #tpu.memory_space<vmem>>
      %dma_start3A_33 = arith.constant 512 : i32
      %dma_start3A_34 = tpu.memref_slice %arg5[%dma_start3A_33] : memref<2048xi32, #tpu.memory_space<vmem>> -> memref<256xi32, #tpu.memory_space<vmem>>
      %dma_start3A_35 = arith.constant 0 : i32
      %dma_start3A_36 = arith.constant 0 : i32
      %dma_start3A_37 = tpu.memref_slice %arg2[%dma_start3A_35, %dma_start3A_36] : memref<200001x2xf32, #tpu.memory_space<hbm>> -> memref<200001x2xf32, #tpu.memory_space<hbm>>
      tpu.enqueue_indirect_dma source(%dma_start3A_37 : memref<200001x2xf32, #tpu.memory_space<hbm>>) target(%dma_start3A_32 : memref<256x2xf32, #tpu.memory_space<vmem>>) offsets(%dma_start3A_34 : memref<256xi32, #tpu.memory_space<vmem>>) semaphore(%arg8 : memref<!tpu.dma_semaphore, #tpu.memory_space<semaphore_mem>>)
      %dma_start3A_38 = arith.constant 768 : i32
      %dma_start3A_39 = arith.constant 0 : i32
      %dma_start3A_40 = tpu.memref_slice %arg6[%dma_start3A_38, %dma_start3A_39] : memref<2048x2xf32, #tpu.memory_space<vmem>> -> memref<256x2xf32, #tpu.memory_space<vmem>>
      %dma_start3A_41 = arith.constant 768 : i32
      %dma_start3A_42 = tpu.memref_slice %arg5[%dma_start3A_41] : memref<2048xi32, #tpu.memory_space<vmem>> -> memref<256xi32, #tpu.memory_space<vmem>>
      %dma_start3A_43 = arith.constant 0 : i32
      %dma_start3A_44 = arith.constant 0 : i32
      %dma_start3A_45 = tpu.memref_slice %arg2[%dma_start3A_43, %dma_start3A_44] : memref<200001x2xf32, #tpu.memory_space<hbm>> -> memref<200001x2xf32, #tpu.memory_space<hbm>>
      tpu.enqueue_indirect_dma source(%dma_start3A_45 : memref<200001x2xf32, #tpu.memory_space<hbm>>) target(%dma_start3A_40 : memref<256x2xf32, #tpu.memory_space<vmem>>) offsets(%dma_start3A_42 : memref<256xi32, #tpu.memory_space<vmem>>) semaphore(%arg8 : memref<!tpu.dma_semaphore, #tpu.memory_space<semaphore_mem>>)
      %dma_start3A_46 = arith.constant 1024 : i32
      %dma_start3A_47 = arith.constant 0 : i32
      %dma_start3A_48 = tpu.memref_slice %arg6[%dma_start3A_46, %dma_start3A_47] : memref<2048x2xf32, #tpu.memory_space<vmem>> -> memref<256x2xf32, #tpu.memory_space<vmem>>
      %dma_start3A_49 = arith.constant 1024 : i32
      %dma_start3A_50 = tpu.memref_slice %arg5[%dma_start3A_49] : memref<2048xi32, #tpu.memory_space<vmem>> -> memref<256xi32, #tpu.memory_space<vmem>>
      %dma_start3A_51 = arith.constant 0 : i32
      %dma_start3A_52 = arith.constant 0 : i32
      %dma_start3A_53 = tpu.memref_slice %arg2[%dma_start3A_51, %dma_start3A_52] : memref<200001x2xf32, #tpu.memory_space<hbm>> -> memref<200001x2xf32, #tpu.memory_space<hbm>>
      tpu.enqueue_indirect_dma source(%dma_start3A_53 : memref<200001x2xf32, #tpu.memory_space<hbm>>) target(%dma_start3A_48 : memref<256x2xf32, #tpu.memory_space<vmem>>) offsets(%dma_start3A_50 : memref<256xi32, #tpu.memory_space<vmem>>) semaphore(%arg8 : memref<!tpu.dma_semaphore, #tpu.memory_space<semaphore_mem>>)
      %dma_start3A_54 = arith.constant 1280 : i32
      %dma_start3A_55 = arith.constant 0 : i32
      %dma_start3A_56 = tpu.memref_slice %arg6[%dma_start3A_54, %dma_start3A_55] : memref<2048x2xf32, #tpu.memory_space<vmem>> -> memref<256x2xf32, #tpu.memory_space<vmem>>
      %dma_start3A_57 = arith.constant 1280 : i32
      %dma_start3A_58 = tpu.memref_slice %arg5[%dma_start3A_57] : memref<2048xi32, #tpu.memory_space<vmem>> -> memref<256xi32, #tpu.memory_space<vmem>>
      %dma_start3A_59 = arith.constant 0 : i32
      %dma_start3A_60 = arith.constant 0 : i32
      %dma_start3A_61 = tpu.memref_slice %arg2[%dma_start3A_59, %dma_start3A_60] : memref<200001x2xf32, #tpu.memory_space<hbm>> -> memref<200001x2xf32, #tpu.memory_space<hbm>>
      tpu.enqueue_indirect_dma source(%dma_start3A_61 : memref<200001x2xf32, #tpu.memory_space<hbm>>) target(%dma_start3A_56 : memref<256x2xf32, #tpu.memory_space<vmem>>) offsets(%dma_start3A_58 : memref<256xi32, #tpu.memory_space<vmem>>) semaphore(%arg8 : memref<!tpu.dma_semaphore, #tpu.memory_space<semaphore_mem>>)
      %dma_start3A_62 = arith.constant 1536 : i32
      %dma_start3A_63 = arith.constant 0 : i32
      %dma_start3A_64 = tpu.memref_slice %arg6[%dma_start3A_62, %dma_start3A_63] : memref<2048x2xf32, #tpu.memory_space<vmem>> -> memref<256x2xf32, #tpu.memory_space<vmem>>
      %dma_start3A_65 = arith.constant 1536 : i32
      %dma_start3A_66 = tpu.memref_slice %arg5[%dma_start3A_65] : memref<2048xi32, #tpu.memory_space<vmem>> -> memref<256xi32, #tpu.memory_space<vmem>>
      %dma_start3A_67 = arith.constant 0 : i32
      %dma_start3A_68 = arith.constant 0 : i32
      %dma_start3A_69 = tpu.memref_slice %arg2[%dma_start3A_67, %dma_start3A_68] : memref<200001x2xf32, #tpu.memory_space<hbm>> -> memref<200001x2xf32, #tpu.memory_space<hbm>>
      tpu.enqueue_indirect_dma source(%dma_start3A_69 : memref<200001x2xf32, #tpu.memory_space<hbm>>) target(%dma_start3A_64 : memref<256x2xf32, #tpu.memory_space<vmem>>) offsets(%dma_start3A_66 : memref<256xi32, #tpu.memory_space<vmem>>) semaphore(%arg8 : memref<!tpu.dma_semaphore, #tpu.memory_space<semaphore_mem>>)
      %dma_start3A_70 = arith.constant 1792 : i32
      %dma_start3A_71 = arith.constant 0 : i32
      %dma_start3A_72 = tpu.memref_slice %arg6[%dma_start3A_70, %dma_start3A_71] : memref<2048x2xf32, #tpu.memory_space<vmem>> -> memref<256x2xf32, #tpu.memory_space<vmem>>
      %dma_start3A_73 = arith.constant 1792 : i32
      %dma_start3A_74 = tpu.memref_slice %arg5[%dma_start3A_73] : memref<2048xi32, #tpu.memory_space<vmem>> -> memref<256xi32, #tpu.memory_space<vmem>>
      %dma_start3A_75 = arith.constant 0 : i32
      %dma_start3A_76 = arith.constant 0 : i32
      %dma_start3A_77 = tpu.memref_slice %arg2[%dma_start3A_75, %dma_start3A_76] : memref<200001x2xf32, #tpu.memory_space<hbm>> -> memref<200001x2xf32, #tpu.memory_space<hbm>>
      tpu.enqueue_indirect_dma source(%dma_start3A_77 : memref<200001x2xf32, #tpu.memory_space<hbm>>) target(%dma_start3A_72 : memref<256x2xf32, #tpu.memory_space<vmem>>) offsets(%dma_start3A_74 : memref<256xi32, #tpu.memory_space<vmem>>) semaphore(%arg8 : memref<!tpu.dma_semaphore, #tpu.memory_space<semaphore_mem>>)
      %dma_wait3A_78 = arith.constant 0 : i32
      %dma_wait3A_79 = arith.constant 0 : i32
      %dma_wait3A_80 = tpu.memref_slice %arg6[%dma_wait3A_78, %dma_wait3A_79] : memref<2048x2xf32, #tpu.memory_space<vmem>> -> memref<256x2xf32, #tpu.memory_space<vmem>>
      %dma_wait3A_81 = arith.constant 0 : i32
      %dma_wait3A_82 = tpu.memref_slice %arg5[%dma_wait3A_81] : memref<2048xi32, #tpu.memory_space<vmem>> -> memref<256xi32, #tpu.memory_space<vmem>>
      %dma_wait3A_83 = arith.constant 0 : i32
      %dma_wait3A_84 = arith.constant 0 : i32
      %dma_wait3A_85 = tpu.memref_slice %arg2[%dma_wait3A_83, %dma_wait3A_84] : memref<200001x2xf32, #tpu.memory_space<hbm>> -> memref<200001x2xf32, #tpu.memory_space<hbm>>
      tpu.wait_indirect_dma semaphore(%arg8 : memref<!tpu.dma_semaphore, #tpu.memory_space<semaphore_mem>>) src(%dma_wait3A_85 : memref<200001x2xf32, #tpu.memory_space<hbm>>) dst(%dma_wait3A_80 : memref<256x2xf32, #tpu.memory_space<vmem>>)
      %dma_wait3A_86 = arith.constant 256 : i32
      %dma_wait3A_87 = arith.constant 0 : i32
      %dma_wait3A_88 = tpu.memref_slice %arg6[%dma_wait3A_86, %dma_wait3A_87] : memref<2048x2xf32, #tpu.memory_space<vmem>> -> memref<256x2xf32, #tpu.memory_space<vmem>>
      %dma_wait3A_89 = arith.constant 256 : i32
      %dma_wait3A_90 = tpu.memref_slice %arg5[%dma_wait3A_89] : memref<2048xi32, #tpu.memory_space<vmem>> -> memref<256xi32, #tpu.memory_space<vmem>>
      %dma_wait3A_91 = arith.constant 0 : i32
      %dma_wait3A_92 = arith.constant 0 : i32
      %dma_wait3A_93 = tpu.memref_slice %arg2[%dma_wait3A_91, %dma_wait3A_92] : memref<200001x2xf32, #tpu.memory_space<hbm>> -> memref<200001x2xf32, #tpu.memory_space<hbm>>
      tpu.wait_indirect_dma semaphore(%arg8 : memref<!tpu.dma_semaphore, #tpu.memory_space<semaphore_mem>>) src(%dma_wait3A_93 : memref<200001x2xf32, #tpu.memory_space<hbm>>) dst(%dma_wait3A_88 : memref<256x2xf32, #tpu.memory_space<vmem>>)
      %dma_wait3A_94 = arith.constant 512 : i32
      %dma_wait3A_95 = arith.constant 0 : i32
      %dma_wait3A_96 = tpu.memref_slice %arg6[%dma_wait3A_94, %dma_wait3A_95] : memref<2048x2xf32, #tpu.memory_space<vmem>> -> memref<256x2xf32, #tpu.memory_space<vmem>>
      %dma_wait3A_97 = arith.constant 512 : i32
      %dma_wait3A_98 = tpu.memref_slice %arg5[%dma_wait3A_97] : memref<2048xi32, #tpu.memory_space<vmem>> -> memref<256xi32, #tpu.memory_space<vmem>>
      %dma_wait3A_99 = arith.constant 0 : i32
      %dma_wait3A_100 = arith.constant 0 : i32
      %dma_wait3A_101 = tpu.memref_slice %arg2[%dma_wait3A_99, %dma_wait3A_100] : memref<200001x2xf32, #tpu.memory_space<hbm>> -> memref<200001x2xf32, #tpu.memory_space<hbm>>
      tpu.wait_indirect_dma semaphore(%arg8 : memref<!tpu.dma_semaphore, #tpu.memory_space<semaphore_mem>>) src(%dma_wait3A_101 : memref<200001x2xf32, #tpu.memory_space<hbm>>) dst(%dma_wait3A_96 : memref<256x2xf32, #tpu.memory_space<vmem>>)
      %dma_wait3A_102 = arith.constant 768 : i32
      %dma_wait3A_103 = arith.constant 0 : i32
      %dma_wait3A_104 = tpu.memref_slice %arg6[%dma_wait3A_102, %dma_wait3A_103] : memref<2048x2xf32, #tpu.memory_space<vmem>> -> memref<256x2xf32, #tpu.memory_space<vmem>>
      %dma_wait3A_105 = arith.constant 768 : i32
      %dma_wait3A_106 = tpu.memref_slice %arg5[%dma_wait3A_105] : memref<2048xi32, #tpu.memory_space<vmem>> -> memref<256xi32, #tpu.memory_space<vmem>>
      %dma_wait3A_107 = arith.constant 0 : i32
      %dma_wait3A_108 = arith.constant 0 : i32
      %dma_wait3A_109 = tpu.memref_slice %arg2[%dma_wait3A_107, %dma_wait3A_108] : memref<200001x2xf32, #tpu.memory_space<hbm>> -> memref<200001x2xf32, #tpu.memory_space<hbm>>
      tpu.wait_indirect_dma semaphore(%arg8 : memref<!tpu.dma_semaphore, #tpu.memory_space<semaphore_mem>>) src(%dma_wait3A_109 : memref<200001x2xf32, #tpu.memory_space<hbm>>) dst(%dma_wait3A_104 : memref<256x2xf32, #tpu.memory_space<vmem>>)
      %dma_wait3A_110 = arith.constant 1024 : i32
      %dma_wait3A_111 = arith.constant 0 : i32
      %dma_wait3A_112 = tpu.memref_slice %arg6[%dma_wait3A_110, %dma_wait3A_111] : memref<2048x2xf32, #tpu.memory_space<vmem>> -> memref<256x2xf32, #tpu.memory_space<vmem>>
      %dma_wait3A_113 = arith.constant 1024 : i32
      %dma_wait3A_114 = tpu.memref_slice %arg5[%dma_wait3A_113] : memref<2048xi32, #tpu.memory_space<vmem>> -> memref<256xi32, #tpu.memory_space<vmem>>
      %dma_wait3A_115 = arith.constant 0 : i32
      %dma_wait3A_116 = arith.constant 0 : i32
      %dma_wait3A_117 = tpu.memref_slice %arg2[%dma_wait3A_115, %dma_wait3A_116] : memref<200001x2xf32, #tpu.memory_space<hbm>> -> memref<200001x2xf32, #tpu.memory_space<hbm>>
      tpu.wait_indirect_dma semaphore(%arg8 : memref<!tpu.dma_semaphore, #tpu.memory_space<semaphore_mem>>) src(%dma_wait3A_117 : memref<200001x2xf32, #tpu.memory_space<hbm>>) dst(%dma_wait3A_112 : memref<256x2xf32, #tpu.memory_space<vmem>>)
      %dma_wait3A_118 = arith.constant 1280 : i32
      %dma_wait3A_119 = arith.constant 0 : i32
      %dma_wait3A_120 = tpu.memref_slice %arg6[%dma_wait3A_118, %dma_wait3A_119] : memref<2048x2xf32, #tpu.memory_space<vmem>> -> memref<256x2xf32, #tpu.memory_space<vmem>>
      %dma_wait3A_121 = arith.constant 1280 : i32
      %dma_wait3A_122 = tpu.memref_slice %arg5[%dma_wait3A_121] : memref<2048xi32, #tpu.memory_space<vmem>> -> memref<256xi32, #tpu.memory_space<vmem>>
      %dma_wait3A_123 = arith.constant 0 : i32
      %dma_wait3A_124 = arith.constant 0 : i32
      %dma_wait3A_125 = tpu.memref_slice %arg2[%dma_wait3A_123, %dma_wait3A_124] : memref<200001x2xf32, #tpu.memory_space<hbm>> -> memref<200001x2xf32, #tpu.memory_space<hbm>>
      tpu.wait_indirect_dma semaphore(%arg8 : memref<!tpu.dma_semaphore, #tpu.memory_space<semaphore_mem>>) src(%dma_wait3A_125 : memref<200001x2xf32, #tpu.memory_space<hbm>>) dst(%dma_wait3A_120 : memref<256x2xf32, #tpu.memory_space<vmem>>)
      %dma_wait3A_126 = arith.constant 1536 : i32
      %dma_wait3A_127 = arith.constant 0 : i32
      %dma_wait3A_128 = tpu.memref_slice %arg6[%dma_wait3A_126, %dma_wait3A_127] : memref<2048x2xf32, #tpu.memory_space<vmem>> -> memref<256x2xf32, #tpu.memory_space<vmem>>
      %dma_wait3A_129 = arith.constant 1536 : i32
      %dma_wait3A_130 = tpu.memref_slice %arg5[%dma_wait3A_129] : memref<2048xi32, #tpu.memory_space<vmem>> -> memref<256xi32, #tpu.memory_space<vmem>>
      %dma_wait3A_131 = arith.constant 0 : i32
      %dma_wait3A_132 = arith.constant 0 : i32
      %dma_wait3A_133 = tpu.memref_slice %arg2[%dma_wait3A_131, %dma_wait3A_132] : memref<200001x2xf32, #tpu.memory_space<hbm>> -> memref<200001x2xf32, #tpu.memory_space<hbm>>
      tpu.wait_indirect_dma semaphore(%arg8 : memref<!tpu.dma_semaphore, #tpu.memory_space<semaphore_mem>>) src(%dma_wait3A_133 : memref<200001x2xf32, #tpu.memory_space<hbm>>) dst(%dma_wait3A_128 : memref<256x2xf32, #tpu.memory_space<vmem>>)
      %dma_wait3A_134 = arith.constant 1792 : i32
      %dma_wait3A_135 = arith.constant 0 : i32
      %dma_wait3A_136 = tpu.memref_slice %arg6[%dma_wait3A_134, %dma_wait3A_135] : memref<2048x2xf32, #tpu.memory_space<vmem>> -> memref<256x2xf32, #tpu.memory_space<vmem>>
      %dma_wait3A_137 = arith.constant 1792 : i32
      %dma_wait3A_138 = tpu.memref_slice %arg5[%dma_wait3A_137] : memref<2048xi32, #tpu.memory_space<vmem>> -> memref<256xi32, #tpu.memory_space<vmem>>
      %dma_wait3A_139 = arith.constant 0 : i32
      %dma_wait3A_140 = arith.constant 0 : i32
      %dma_wait3A_141 = tpu.memref_slice %arg2[%dma_wait3A_139, %dma_wait3A_140] : memref<200001x2xf32, #tpu.memory_space<hbm>> -> memref<200001x2xf32, #tpu.memory_space<hbm>>
      tpu.wait_indirect_dma semaphore(%arg8 : memref<!tpu.dma_semaphore, #tpu.memory_space<semaphore_mem>>) src(%dma_wait3A_141 : memref<200001x2xf32, #tpu.memory_space<hbm>>) dst(%dma_wait3A_136 : memref<256x2xf32, #tpu.memory_space<vmem>>)
      %mul3A_142 = arith.constant 2048 : i32
      %mul3A_143 = arith.muli %scan3A_8, %mul3A_142 : i32
      %add3A_144 = arith.addi %mul3A_2, %mul3A_143 : i32
      %dma_start3A_145 = arith.constant 0 : i32
      %dma_start3A_146 = tpu.memref_slice %arg4[%add3A_144, %dma_start3A_145] : memref<1048576x2xf32, #tpu.memory_space<hbm>> -> memref<2048x2xf32, #tpu.memory_space<hbm>>
      %dma_start3A_147 = arith.constant 0 : i32
      %dma_start3A_148 = tpu.memref_slice %arg4[%add3A_144, %dma_start3A_147] : memref<1048576x2xf32, #tpu.memory_space<hbm>> -> memref<2048x2xf32, #tpu.memory_space<hbm>>
      tpu.enqueue_dma source(%arg6 : memref<2048x2xf32, #tpu.memory_space<vmem>>) target(%dma_start3A_148 : memref<2048x2xf32, #tpu.memory_space<hbm>>) target_semaphore(%arg9 : memref<!tpu.dma_semaphore, #tpu.memory_space<semaphore_mem>>)
      %dma_wait3A_149 = arith.constant 0 : i32
      %dma_wait3A_150 = tpu.memref_slice %arg4[%add3A_144, %dma_wait3A_149] : memref<1048576x2xf32, #tpu.memory_space<hbm>> -> memref<2048x2xf32, #tpu.memory_space<hbm>>
      %dma_wait3A_151 = arith.constant 0 : i32
      %dma_wait3A_152 = tpu.memref_slice %arg4[%add3A_144, %dma_wait3A_151] : memref<1048576x2xf32, #tpu.memory_space<hbm>> -> memref<2048x2xf32, #tpu.memory_space<hbm>>
      tpu.wait_dma2 semaphore(%arg9 : memref<!tpu.dma_semaphore, #tpu.memory_space<semaphore_mem>>) src(%arg6 : memref<2048x2xf32, #tpu.memory_space<vmem>>) dst(%dma_wait3A_152 : memref<2048x2xf32, #tpu.memory_space<hbm>>)
    }
    %scan3A_7 = arith.constant 16 : i32
    return
  }
}

module attributes {stable_mosaic.version = 14 : i64} {
  func.func @_shade_body(%arg0: i32, %arg1: memref<8x128xf32, #tpu.memory_space<vmem>>, %arg2: memref<3x7168xf32, #tpu.memory_space<vmem>>, %arg3: memref<3x7168xf32, #tpu.memory_space<vmem>>, %arg4: memref<3x7168xf32, #tpu.memory_space<vmem>>, %arg5: memref<1x7168xi32, #tpu.memory_space<vmem>>, %arg6: memref<3x7168xf32, #tpu.memory_space<vmem>>) attributes {dimension_semantics = [#tpu.dimension_semantics<arbitrary>], iteration_bounds = array<i64: 28>, scalar_prefetch = 0 : i64, scratch_operands = 0 : i64, tpu.core_type = #tpu.core_type<tc>, window_params = [{pipeline_mode = #tpu.pipeline_mode<synchronous>, transform_indices = @transform_0, window_bounds = array<i64: 8, 128>}, {transform_indices = @transform_1, window_bounds = array<i64: 3, 7168>}, {transform_indices = @transform_2, window_bounds = array<i64: 3, 7168>}, {transform_indices = @transform_3, window_bounds = array<i64: 3, 7168>}, {transform_indices = @transform_4, window_bounds = array<i64: 1, 7168>}, {transform_indices = @transform_5, window_bounds = array<i64: 3, 7168>}]} {
    %get3A = arith.constant 4 : index
    %get3A_0 = arith.constant 0 : index
    %get3A_1 = vector.load %arg1[%get3A, %get3A_0] : memref<8x128xf32, #tpu.memory_space<vmem>>, vector<1x1xf32>
    %get3A_2 = vector.extract %get3A_1[0, 0] : f32 from vector<1x1xf32>
    %get3A_3 = arith.constant 4 : index
    %get3A_4 = arith.constant 1 : index
    %get3A_5 = vector.load %arg1[%get3A_3, %get3A_4] : memref<8x128xf32, #tpu.memory_space<vmem>>, vector<1x1xf32>
    %get3A_6 = vector.extract %get3A_5[0, 0] : f32 from vector<1x1xf32>
    %get3A_7 = arith.constant 4 : index
    %get3A_8 = arith.constant 2 : index
    %get3A_9 = vector.load %arg1[%get3A_7, %get3A_8] : memref<8x128xf32, #tpu.memory_space<vmem>>, vector<1x1xf32>
    %get3A_10 = vector.extract %get3A_9[0, 0] : f32 from vector<1x1xf32>
    %mul3A = arith.mulf %get3A_2, %get3A_2 : f32
    %mul3A_11 = arith.mulf %get3A_6, %get3A_6 : f32
    %add3A = arith.addf %mul3A, %mul3A_11 : f32
    %mul3A_12 = arith.mulf %get3A_10, %get3A_10 : f32
    %add3A_13 = arith.addf %add3A, %mul3A_12 : f32
    %sqrt3A = math.sqrt %add3A_13 : f32
    %max3A = arith.constant 9.99999996E-13 : f32
    %max3A_14 = arith.maximumf %sqrt3A, %max3A : f32
    %div3A = arith.constant 1.000000e+00 : f32
    %div3A_15 = arith.divf %div3A, %max3A_14 : f32
    %mul3A_16 = arith.mulf %get3A_2, %div3A_15 : f32
    %mul3A_17 = arith.mulf %get3A_6, %div3A_15 : f32
    %mul3A_18 = arith.mulf %get3A_10, %div3A_15 : f32
    %get3A_19 = arith.constant 0 : index
    %get3A_20 = arith.constant 0 : index
    %get3A_21 = vector.load %arg5[%get3A_19, %get3A_20] : memref<1x7168xi32, #tpu.memory_space<vmem>>, vector<1x7168xi32>
    %get3A_22 = arith.constant 0 : index
    %get3A_23 = arith.constant 0 : index
    %get3A_24 = vector.load %arg2[%get3A_22, %get3A_23] : memref<3x7168xf32, #tpu.memory_space<vmem>>, vector<1x7168xf32>
    %get3A_25 = arith.constant 1 : index
    %get3A_26 = arith.constant 0 : index
    %get3A_27 = vector.load %arg2[%get3A_25, %get3A_26] : memref<3x7168xf32, #tpu.memory_space<vmem>>, vector<1x7168xf32>
    %get3A_28 = arith.constant 2 : index
    %get3A_29 = arith.constant 0 : index
    %get3A_30 = vector.load %arg2[%get3A_28, %get3A_29] : memref<3x7168xf32, #tpu.memory_space<vmem>>, vector<1x7168xf32>
    %get3A_31 = arith.constant 0 : index
    %get3A_32 = arith.constant 0 : index
    %get3A_33 = vector.load %arg4[%get3A_31, %get3A_32] : memref<3x7168xf32, #tpu.memory_space<vmem>>, vector<1x7168xf32>
    %get3A_34 = arith.constant 1 : index
    %get3A_35 = arith.constant 0 : index
    %get3A_36 = vector.load %arg4[%get3A_34, %get3A_35] : memref<3x7168xf32, #tpu.memory_space<vmem>>, vector<1x7168xf32>
    %get3A_37 = arith.constant 2 : index
    %get3A_38 = arith.constant 0 : index
    %get3A_39 = vector.load %arg4[%get3A_37, %get3A_38] : memref<3x7168xf32, #tpu.memory_space<vmem>>, vector<1x7168xf32>
    %eq3A = arith.constant 0 : i32
    %eq3A_40 = vector.broadcast %eq3A : i32 to vector<1x7168xi32>
    %eq3A_41 = arith.cmpi eq, %get3A_21, %eq3A_40 : vector<1x7168xi32>
    %get3A_42 = arith.constant 0 : index
    %get3A_43 = arith.constant 0 : index
    %get3A_44 = vector.load %arg1[%get3A_42, %get3A_43] : memref<8x128xf32, #tpu.memory_space<vmem>>, vector<1x1xf32>
    %get3A_45 = vector.extract %get3A_44[0, 0] : f32 from vector<1x1xf32>
    %eq3A_46 = arith.constant 1 : i32
    %eq3A_47 = vector.broadcast %eq3A_46 : i32 to vector<1x7168xi32>
    %eq3A_48 = arith.cmpi eq, %get3A_21, %eq3A_47 : vector<1x7168xi32>
    %get3A_49 = arith.constant 1 : index
    %get3A_50 = arith.constant 0 : index
    %get3A_51 = vector.load %arg1[%get3A_49, %get3A_50] : memref<8x128xf32, #tpu.memory_space<vmem>>, vector<1x1xf32>
    %get3A_52 = vector.extract %get3A_51[0, 0] : f32 from vector<1x1xf32>
    %eq3A_53 = arith.constant 2 : i32
    %eq3A_54 = vector.broadcast %eq3A_53 : i32 to vector<1x7168xi32>
    %eq3A_55 = arith.cmpi eq, %get3A_21, %eq3A_54 : vector<1x7168xi32>
    %get3A_56 = arith.constant 2 : index
    %get3A_57 = arith.constant 0 : index
    %get3A_58 = vector.load %arg1[%get3A_56, %get3A_57] : memref<8x128xf32, #tpu.memory_space<vmem>>, vector<1x1xf32>
    %get3A_59 = vector.extract %get3A_58[0, 0] : f32 from vector<1x1xf32>
    %get3A_60 = arith.constant 3 : index
    %get3A_61 = arith.constant 0 : index
    %get3A_62 = vector.load %arg1[%get3A_60, %get3A_61] : memref<8x128xf32, #tpu.memory_space<vmem>>, vector<1x1xf32>
    %get3A_63 = vector.extract %get3A_62[0, 0] : f32 from vector<1x1xf32>
    %broadcast_in_dim3A = vector.broadcast %get3A_59 : f32 to vector<1x7168xf32>
    %broadcast_in_dim3A_64 = vector.broadcast %get3A_63 : f32 to vector<1x7168xf32>
    %select_n3A = arith.select %eq3A_55, %broadcast_in_dim3A, %broadcast_in_dim3A_64 : vector<1x7168xi1>, vector<1x7168xf32>
    %broadcast_in_dim3A_65 = vector.broadcast %get3A_52 : f32 to vector<1x7168xf32>
    %select_n3A_66 = arith.select %eq3A_48, %broadcast_in_dim3A_65, %select_n3A : vector<1x7168xi1>, vector<1x7168xf32>
    %broadcast_in_dim3A_67 = vector.broadcast %get3A_45 : f32 to vector<1x7168xf32>
    %select_n3A_68 = arith.select %eq3A_41, %broadcast_in_dim3A_67, %select_n3A_66 : vector<1x7168xi1>, vector<1x7168xf32>
    %sub3A = arith.subf %select_n3A_68, %get3A_24 : vector<1x7168xf32>
    %eq3A_69 = arith.constant 0 : i32
    %eq3A_70 = vector.broadcast %eq3A_69 : i32 to vector<1x7168xi32>
    %eq3A_71 = arith.cmpi eq, %get3A_21, %eq3A_70 : vector<1x7168xi32>
    %get3A_72 = arith.constant 0 : index
    %get3A_73 = arith.constant 1 : index
    %get3A_74 = vector.load %arg1[%get3A_72, %get3A_73] : memref<8x128xf32, #tpu.memory_space<vmem>>, vector<1x1xf32>
    %get3A_75 = vector.extract %get3A_74[0, 0] : f32 from vector<1x1xf32>
    %eq3A_76 = arith.constant 1 : i32
    %eq3A_77 = vector.broadcast %eq3A_76 : i32 to vector<1x7168xi32>
    %eq3A_78 = arith.cmpi eq, %get3A_21, %eq3A_77 : vector<1x7168xi32>
    %get3A_79 = arith.constant 1 : index
    %get3A_80 = arith.constant 1 : index
    %get3A_81 = vector.load %arg1[%get3A_79, %get3A_80] : memref<8x128xf32, #tpu.memory_space<vmem>>, vector<1x1xf32>
    %get3A_82 = vector.extract %get3A_81[0, 0] : f32 from vector<1x1xf32>
    %eq3A_83 = arith.constant 2 : i32
    %eq3A_84 = vector.broadcast %eq3A_83 : i32 to vector<1x7168xi32>
    %eq3A_85 = arith.cmpi eq, %get3A_21, %eq3A_84 : vector<1x7168xi32>
    %get3A_86 = arith.constant 2 : index
    %get3A_87 = arith.constant 1 : index
    %get3A_88 = vector.load %arg1[%get3A_86, %get3A_87] : memref<8x128xf32, #tpu.memory_space<vmem>>, vector<1x1xf32>
    %get3A_89 = vector.extract %get3A_88[0, 0] : f32 from vector<1x1xf32>
    %get3A_90 = arith.constant 3 : index
    %get3A_91 = arith.constant 1 : index
    %get3A_92 = vector.load %arg1[%get3A_90, %get3A_91] : memref<8x128xf32, #tpu.memory_space<vmem>>, vector<1x1xf32>
    %get3A_93 = vector.extract %get3A_92[0, 0] : f32 from vector<1x1xf32>
    %broadcast_in_dim3A_94 = vector.broadcast %get3A_89 : f32 to vector<1x7168xf32>
    %broadcast_in_dim3A_95 = vector.broadcast %get3A_93 : f32 to vector<1x7168xf32>
    %select_n3A_96 = arith.select %eq3A_85, %broadcast_in_dim3A_94, %broadcast_in_dim3A_95 : vector<1x7168xi1>, vector<1x7168xf32>
    %broadcast_in_dim3A_97 = vector.broadcast %get3A_82 : f32 to vector<1x7168xf32>
    %select_n3A_98 = arith.select %eq3A_78, %broadcast_in_dim3A_97, %select_n3A_96 : vector<1x7168xi1>, vector<1x7168xf32>
    %broadcast_in_dim3A_99 = vector.broadcast %get3A_75 : f32 to vector<1x7168xf32>
    %select_n3A_100 = arith.select %eq3A_71, %broadcast_in_dim3A_99, %select_n3A_98 : vector<1x7168xi1>, vector<1x7168xf32>
    %sub3A_101 = arith.subf %select_n3A_100, %get3A_27 : vector<1x7168xf32>
    %eq3A_102 = arith.constant 0 : i32
    %eq3A_103 = vector.broadcast %eq3A_102 : i32 to vector<1x7168xi32>
    %eq3A_104 = arith.cmpi eq, %get3A_21, %eq3A_103 : vector<1x7168xi32>
    %get3A_105 = arith.constant 0 : index
    %get3A_106 = arith.constant 2 : index
    %get3A_107 = vector.load %arg1[%get3A_105, %get3A_106] : memref<8x128xf32, #tpu.memory_space<vmem>>, vector<1x1xf32>
    %get3A_108 = vector.extract %get3A_107[0, 0] : f32 from vector<1x1xf32>
    %eq3A_109 = arith.constant 1 : i32
    %eq3A_110 = vector.broadcast %eq3A_109 : i32 to vector<1x7168xi32>
    %eq3A_111 = arith.cmpi eq, %get3A_21, %eq3A_110 : vector<1x7168xi32>
    %get3A_112 = arith.constant 1 : index
    %get3A_113 = arith.constant 2 : index
    %get3A_114 = vector.load %arg1[%get3A_112, %get3A_113] : memref<8x128xf32, #tpu.memory_space<vmem>>, vector<1x1xf32>
    %get3A_115 = vector.extract %get3A_114[0, 0] : f32 from vector<1x1xf32>
    %eq3A_116 = arith.constant 2 : i32
    %eq3A_117 = vector.broadcast %eq3A_116 : i32 to vector<1x7168xi32>
    %eq3A_118 = arith.cmpi eq, %get3A_21, %eq3A_117 : vector<1x7168xi32>
    %get3A_119 = arith.constant 2 : index
    %get3A_120 = arith.constant 2 : index
    %get3A_121 = vector.load %arg1[%get3A_119, %get3A_120] : memref<8x128xf32, #tpu.memory_space<vmem>>, vector<1x1xf32>
    %get3A_122 = vector.extract %get3A_121[0, 0] : f32 from vector<1x1xf32>
    %get3A_123 = arith.constant 3 : index
    %get3A_124 = arith.constant 2 : index
    %get3A_125 = vector.load %arg1[%get3A_123, %get3A_124] : memref<8x128xf32, #tpu.memory_space<vmem>>, vector<1x1xf32>
    %get3A_126 = vector.extract %get3A_125[0, 0] : f32 from vector<1x1xf32>
    %broadcast_in_dim3A_127 = vector.broadcast %get3A_122 : f32 to vector<1x7168xf32>
    %broadcast_in_dim3A_128 = vector.broadcast %get3A_126 : f32 to vector<1x7168xf32>
    %select_n3A_129 = arith.select %eq3A_118, %broadcast_in_dim3A_127, %broadcast_in_dim3A_128 : vector<1x7168xi1>, vector<1x7168xf32>
    %broadcast_in_dim3A_130 = vector.broadcast %get3A_115 : f32 to vector<1x7168xf32>
    %select_n3A_131 = arith.select %eq3A_111, %broadcast_in_dim3A_130, %select_n3A_129 : vector<1x7168xi1>, vector<1x7168xf32>
    %broadcast_in_dim3A_132 = vector.broadcast %get3A_108 : f32 to vector<1x7168xf32>
    %select_n3A_133 = arith.select %eq3A_104, %broadcast_in_dim3A_132, %select_n3A_131 : vector<1x7168xi1>, vector<1x7168xf32>
    %sub3A_134 = arith.subf %select_n3A_133, %get3A_30 : vector<1x7168xf32>
    %mul3A_135 = arith.mulf %sub3A, %sub3A : vector<1x7168xf32>
    %mul3A_136 = arith.mulf %sub3A_101, %sub3A_101 : vector<1x7168xf32>
    %add3A_137 = arith.addf %mul3A_135, %mul3A_136 : vector<1x7168xf32>
    %mul3A_138 = arith.mulf %sub3A_134, %sub3A_134 : vector<1x7168xf32>
    %add3A_139 = arith.addf %add3A_137, %mul3A_138 : vector<1x7168xf32>
    %sqrt3A_140 = math.sqrt %add3A_139 : vector<1x7168xf32>
    %max3A_141 = arith.constant 9.99999996E-13 : f32
    %max3A_142 = vector.broadcast %max3A_141 : f32 to vector<1x7168xf32>
    %max3A_143 = arith.maximumf %sqrt3A_140, %max3A_142 : vector<1x7168xf32>
    %div3A_144 = arith.constant 1.000000e+00 : f32
    %div3A_145 = vector.broadcast %div3A_144 : f32 to vector<1x7168xf32>
    %div3A_146 = arith.divf %div3A_145, %max3A_143 : vector<1x7168xf32>
    %mul3A_147 = arith.mulf %sub3A, %div3A_146 : vector<1x7168xf32>
    %mul3A_148 = arith.mulf %sub3A_101, %div3A_146 : vector<1x7168xf32>
    %mul3A_149 = arith.mulf %sub3A_134, %div3A_146 : vector<1x7168xf32>
    %add3A_150 = vector.broadcast %mul3A_16 : f32 to vector<1x7168xf32>
    %add3A_151 = arith.addf %add3A_150, %mul3A_147 : vector<1x7168xf32>
    %add3A_152 = vector.broadcast %mul3A_17 : f32 to vector<1x7168xf32>
    %add3A_153 = arith.addf %add3A_152, %mul3A_148 : vector<1x7168xf32>
    %add3A_154 = vector.broadcast %mul3A_18 : f32 to vector<1x7168xf32>
    %add3A_155 = arith.addf %add3A_154, %mul3A_149 : vector<1x7168xf32>
    %mul3A_156 = arith.mulf %add3A_151, %add3A_151 : vector<1x7168xf32>
    %mul3A_157 = arith.mulf %add3A_153, %add3A_153 : vector<1x7168xf32>
    %add3A_158 = arith.addf %mul3A_156, %mul3A_157 : vector<1x7168xf32>
    %mul3A_159 = arith.mulf %add3A_155, %add3A_155 : vector<1x7168xf32>
    %add3A_160 = arith.addf %add3A_158, %mul3A_159 : vector<1x7168xf32>
    %sqrt3A_161 = math.sqrt %add3A_160 : vector<1x7168xf32>
    %max3A_162 = arith.constant 9.99999996E-13 : f32
    %max3A_163 = vector.broadcast %max3A_162 : f32 to vector<1x7168xf32>
    %max3A_164 = arith.maximumf %sqrt3A_161, %max3A_163 : vector<1x7168xf32>
    %div3A_165 = arith.constant 1.000000e+00 : f32
    %div3A_166 = vector.broadcast %div3A_165 : f32 to vector<1x7168xf32>
    %div3A_167 = arith.divf %div3A_166, %max3A_164 : vector<1x7168xf32>
    %mul3A_168 = arith.mulf %add3A_151, %div3A_167 : vector<1x7168xf32>
    %mul3A_169 = arith.mulf %add3A_153, %div3A_167 : vector<1x7168xf32>
    %mul3A_170 = arith.mulf %add3A_155, %div3A_167 : vector<1x7168xf32>
    %mul3A_171 = vector.broadcast %mul3A_16 : f32 to vector<1x7168xf32>
    %mul3A_172 = arith.mulf %get3A_33, %mul3A_171 : vector<1x7168xf32>
    %mul3A_173 = vector.broadcast %mul3A_17 : f32 to vector<1x7168xf32>
    %mul3A_174 = arith.mulf %get3A_36, %mul3A_173 : vector<1x7168xf32>
    %add3A_175 = arith.addf %mul3A_172, %mul3A_174 : vector<1x7168xf32>
    %mul3A_176 = vector.broadcast %mul3A_18 : f32 to vector<1x7168xf32>
    %mul3A_177 = arith.mulf %get3A_39, %mul3A_176 : vector<1x7168xf32>
    %add3A_178 = arith.addf %add3A_175, %mul3A_177 : vector<1x7168xf32>
    %max3A_179 = arith.constant 0.000000e+00 : f32
    %max3A_180 = vector.broadcast %max3A_179 : f32 to vector<1x7168xf32>
    %max3A_181 = arith.maximumf %add3A_178, %max3A_180 : vector<1x7168xf32>
    %mul3A_182 = arith.constant 0.699999988 : f32
    %mul3A_183 = vector.broadcast %mul3A_182 : f32 to vector<1x7168xf32>
    %mul3A_184 = arith.mulf %mul3A_183, %max3A_181 : vector<1x7168xf32>
    %add3A_185 = arith.constant 3.000000e-01 : f32
    %add3A_186 = vector.broadcast %add3A_185 : f32 to vector<1x7168xf32>
    %add3A_187 = arith.addf %add3A_186, %mul3A_184 : vector<1x7168xf32>
    %mul3A_188 = arith.mulf %get3A_33, %mul3A_168 : vector<1x7168xf32>
    %mul3A_189 = arith.mulf %get3A_36, %mul3A_169 : vector<1x7168xf32>
    %add3A_190 = arith.addf %mul3A_188, %mul3A_189 : vector<1x7168xf32>
    %mul3A_191 = arith.mulf %get3A_39, %mul3A_170 : vector<1x7168xf32>
    %add3A_192 = arith.addf %add3A_190, %mul3A_191 : vector<1x7168xf32>
    %max3A_193 = arith.constant 0.000000e+00 : f32
    %max3A_194 = vector.broadcast %max3A_193 : f32 to vector<1x7168xf32>
    %max3A_195 = arith.maximumf %add3A_192, %max3A_194 : vector<1x7168xf32>
    %mul3A_196 = arith.mulf %max3A_195, %max3A_195 : vector<1x7168xf32>
    %mul3A_197 = arith.mulf %mul3A_196, %mul3A_196 : vector<1x7168xf32>
    %mul3A_198 = arith.mulf %mul3A_197, %mul3A_197 : vector<1x7168xf32>
    %mul3A_199 = arith.mulf %mul3A_198, %mul3A_198 : vector<1x7168xf32>
    %mul3A_200 = arith.mulf %mul3A_199, %mul3A_199 : vector<1x7168xf32>
    %mul3A_201 = arith.constant 2.000000e-01 : f32
    %mul3A_202 = vector.broadcast %mul3A_201 : f32 to vector<1x7168xf32>
    %mul3A_203 = arith.mulf %mul3A_202, %mul3A_200 : vector<1x7168xf32>
    %get3A_204 = arith.constant 0 : index
    %get3A_205 = arith.constant 0 : index
    %get3A_206 = vector.load %arg3[%get3A_204, %get3A_205] : memref<3x7168xf32, #tpu.memory_space<vmem>>, vector<3x7168xf32>
    %mul3A_207 = vector.broadcast %add3A_187 : vector<1x7168xf32> to vector<3x7168xf32>
    %mul3A_208 = arith.mulf %get3A_206, %mul3A_207 : vector<3x7168xf32>
    %add3A_209 = vector.broadcast %mul3A_203 : vector<1x7168xf32> to vector<3x7168xf32>
    %add3A_210 = arith.addf %mul3A_208, %add3A_209 : vector<3x7168xf32>
    %jit3A = arith.constant 0.000000e+00 : f32
    %jit3A_211 = arith.constant 1.000000e+00 : f32
    %max3A_212 = vector.broadcast %jit3A : f32 to vector<3x7168xf32>
    %max3A_213 = arith.maximumf %max3A_212, %add3A_210 : vector<3x7168xf32>
    %min3A = vector.broadcast %jit3A_211 : f32 to vector<3x7168xf32>
    %min3A_214 = arith.minimumf %min3A, %max3A_213 : vector<3x7168xf32>
    %swap3A = arith.constant 0 : index
    %swap3A_215 = arith.constant 0 : index
    %swap3A_216 = vector.load %arg6[%swap3A, %swap3A_215] : memref<3x7168xf32, #tpu.memory_space<vmem>>, vector<3x7168xf32>
    tpu.vector_store %arg6[%swap3A, %swap3A_215], %min3A_214 {strides = array<i32>} : memref<3x7168xf32, #tpu.memory_space<vmem>>, vector<3x7168xf32>,
    return
  }
  func.func @transform_0(%arg0: i32) -> (i32, i32) {
    %c0_i32 = arith.constant 0 : i32
    %c0_i32_0 = arith.constant 0 : i32
    %c0_i32_1 = arith.constant 0 : i32
    return %c0_i32, %c0_i32_0 : i32, i32
  }
  func.func @transform_1(%arg0: i32) -> (i32, i32) {
    %c0_i32 = arith.constant 0 : i32
    %c0_i32_0 = arith.constant 0 : i32
    return %c0_i32, %arg0 : i32, i32
  }
  func.func @transform_2(%arg0: i32) -> (i32, i32) {
    %c0_i32 = arith.constant 0 : i32
    %c0_i32_0 = arith.constant 0 : i32
    return %c0_i32, %arg0 : i32, i32
  }
  func.func @transform_3(%arg0: i32) -> (i32, i32) {
    %c0_i32 = arith.constant 0 : i32
    %c0_i32_0 = arith.constant 0 : i32
    return %c0_i32, %arg0 : i32, i32
  }
  func.func @transform_4(%arg0: i32) -> (i32, i32) {
    %c0_i32 = arith.constant 0 : i32
    %c0_i32_0 = arith.constant 0 : i32
    return %c0_i32, %arg0 : i32, i32
  }
  func.func @transform_5(%arg0: i32) -> (i32, i32) {
    %c0_i32 = arith.constant 0 : i32
    %c0_i32_0 = arith.constant 0 : i32
    return %c0_i32, %arg0 : i32, i32
  }
}

</mosaic_0001>

<sc_bundles>
// kernel: kernel.4.cloned.1.call-start
scs
__scs_entry_jumppad:
0x0: {  	(pc) =	sbr.rel $0x88, $3  }
0x1: {  	(tag) =	ssettag $0x0;
	lr =	simm.s32 $0x1  }
0x2: {  	[smem:$0x3F9A] =	sst lr;
	_ =	strace $0xD0000000  }
0x3: {  	_ = 	snop  }
0x4: {  	_ = 	snop  }
0x5: {  	_ = 	snop  }
0x6: {  	_ = 	snop  }
0x7: {  	_ = 	snop  }
__scs_overlays_trampoline_lowered:
0x8: {  	[smem:$0x3FA9] =	sst s0  }
0x9: {  	[smem:$0x3FAA] =	sst s1  }
0xa: {  	[smem:$0x3FAB] =	sst s2  }
0xb: {  	[smem:$0x3FAC] =	sst s3  }
0xc: {  	[smem:$0x3FAD] =	sst s4  }
0xd: {  	[smem:$0x3FAE] =	sst s5  }
0xe: {  	[smem:$0x3FAF] =	sst s6  }
0xf: {  	[smem:$0x3FB0] =	sst s7  }
0x10: {  	[smem:$0x3FB1] =	sst s8  }
0x11: {  	[smem:$0x3FB2] =	sst s9;
	s0 =	simm.s32 @!p0 $0x0  }
0x12: {  	s1 =	sld [smem:$0x3F98];
	s0 =	simm.s32 @p0 $0x1  }
0x13: {  	[smem:$0x3FB3] =	sst s0;
	s0 =	simm.s32 @!p1 $0x0  }
0x14: {  	s2 =	sld [smem:$0x3F97];
	s0 =	simm.s32 @p1 $0x1  }
0x15: {  	[smem:$0x3FB4] =	sst s0;
	s0 =	simm.s32 @!p2 $0x0  }
0x16: {  	s3 =	sld [smem:$0x3FDB];
	s0 =	simm.s32 @p2 $0x1  }
0x17: {  	s4 =	simm.s32 $0x1BF5;
	[smem:$0x3FB6] =	sst s0  }
0x18: {  	s0 =	sld [smem:$0x3F99];
	_ =	swait.ge [sflag:s4], $0x0  }
0x19: {  	s7 =	sld [smem:$0x3F9A]  }
0x1a: {  	s8 =	sadd.s32 $0xFFFFE003, lr  }
0x1b: {  	s9 =	sadd.s32 $0xFFFFFEF7, lr;
	s5 =	simm.s32 $0xFFFFFFFF;
	p2 =	slt.u32 s8, $0xFFFFF086  }
0x1c: {  	p1 =	slt.u32 s9, $0xF7A;
	s5 =	simm.s32 @!p2 $0x0  }
0x1d: {  	s5 =	simm.s32 @p1 $0x1;
	p0 =	seq.s32 s7, s2  }
0x1e: {  	s7 =	smul.u32 @!p0 $0xF7A, s2;
	p2 =	seq.s32 @!p0 s5, $0x0  }
0x1f: {  	s9 =	smul.u32 $0xF7A, s1;
	s8 =	simm.s32 @!p0 $0x1BF5;
	p2 =	por !p2, p0  }
0x20: {  	[sflag:s8] =	ssyncset.s32 @!p0 $0xFFFFF086;
	s6 =	sadd.s32 @!p0 s3, s7;
	s7 =	simm.s32 @!p0 $0x108  }
0x21: {  	s3 =	sadd.s32 s3, s9;
	s6 =	sadd.s32 @!p0 $0x88, s6;
	s7 =	simm.s32 @p2 $0x1082  }
0x22: {  	[simem:s7], [sflag:s8] =	dma.local @!p0 [hbm:s6], $0xF7A  }
0x23: {  	s9 =	sor.u32 $0xD0000000, s2;
	s6 =	simm.s32 $0x108;
	_ =	swait.ge @!p0 [sflag:s8], $0x0  }
0x24: {  	s3 =	sadd.s32 $0x88, s3;
	s6 =	simm.s32 @!p1 $0x1082;
	[sflag:s4] =	ssyncset.s32 $0xFFFFF086  }
0x25: {  	[simem:s6], [sflag:s4] =	dma.local [hbm:s3], $0xF7A  }
0x26: {  	[smem:$0x3F9A] =	sst s1;
	(tag) =	ssettag s2;
	_ =	strace s9  }
0x27: {  	s1 =	sld [smem:$0x3FAA]  }
0x28: {  	s2 =	sld [smem:$0x3FAB]  }
0x29: {  	s4 =	sld [smem:$0x3FAD]  }
0x2a: {  	p0 =	seq.s32 s5, $0x0;
	s5 =	sld [smem:$0x3FAE]  }
0x2b: {  	s6 =	sld [smem:$0x3FAF]  }
0x2c: {  	s7 =	sld [smem:$0x3FB0]  }
0x2d: {  	s3 =	simm.s32 $0x108;
	s8 =	sld [smem:$0x3FB1]  }
0x2e: {  	s3 =	simm.s32 @!p0 $0x1082;
	s9 =	sld [smem:$0x3FB2]  }
0x2f: {  	lr =	sadd.s32 s0, s3;
	s0 =	sld [smem:$0x3FA9]  }
0x30: {  	s3 =	sld [smem:$0x3FAC]  }
0x31: {  	[smem:$0x3FB5] =	sst s10  }
0x32: {  	s10 =	sld [smem:$0x3FB3];
	_ =	sdelay $0x3  }
0x33: {  	p0 =	seq.s32 s10, $0x1;
	s10 =	sld [smem:$0x3FB5];
	_ =	sdelay $0x3  }
0x34: {  	[smem:$0x3FB5] =	sst s10  }
0x35: {  	s10 =	sld [smem:$0x3FB4];
	_ =	sdelay $0x3  }
0x36: {  	p1 =	seq.s32 s10, $0x1;
	s10 =	sld [smem:$0x3FB5];
	_ =	sdelay $0x3  }
0x37: {  	[smem:$0x3FB5] =	sst s10  }
0x38: {  	s10 =	sld [smem:$0x3FB6]  }
0x39: {  	_ = 	snop;
	(pc) =	sbr.ind lr, $3  }
0x3a: {  	_ = 	snop  }
0x3b: {  	_ = 	snop  }
0x3c: {  	p2 =	seq.s32 s10, $0x1;
	s10 =	sld [smem:$0x3FB5]  }
0x3d: {  	_ =	shalt  }
0x3e: {  	_ =	shalt  }
0x3f: {  	_ =	shalt  }
0x40: {  	_ =	shalt  }
0x41: {  	_ =	shalt  }
0x42: {  	_ =	shalt  }
0x43: {  	_ =	shalt  }
0x44: {  	_ =	shalt  }
0x45: {  	_ =	shalt  }
0x46: {  	_ =	shalt  }
0x47: {  	_ =	shalt  }
0x48: {  	_ =	shalt  }
0x49: {  	_ =	shalt  }
0x4a: {  	_ =	shalt  }
0x4b: {  	_ =	shalt  }
0x4c: {  	_ =	shalt  }
0x4d: {  	_ =	shalt  }
0x4e: {  	_ =	shalt  }
0x4f: {  	_ =	shalt  }
0x50: {  	_ =	shalt  }
0x51: {  	_ =	shalt  }
0x52: {  	_ =	shalt  }
0x53: {  	_ =	shalt  }
0x54: {  	_ =	shalt  }
0x55: {  	_ =	shalt  }
0x56: {  	_ =	shalt  }
0x57: {  	_ =	shalt  }
0x58: {  	_ =	shalt  }
0x59: {  	_ =	shalt  }
0x5a: {  	_ =	shalt  }
0x5b: {  	_ =	shalt  }
0x5c: {  	_ =	shalt  }
0x5d: {  	_ =	shalt  }
0x5e: {  	_ =	shalt  }
0x5f: {  	_ =	shalt  }
0x60: {  	_ =	shalt  }
0x61: {  	_ =	shalt  }
0x62: {  	_ =	shalt  }
0x63: {  	_ =	shalt  }
0x64: {  	_ =	shalt  }
0x65: {  	_ =	shalt  }
0x66: {  	_ =	shalt  }
0x67: {  	_ =	shalt  }
0x68: {  	_ =	shalt  }
0x69: {  	_ =	shalt  }
0x6a: {  	_ =	shalt  }
0x6b: {  	_ =	shalt  }
0x6c: {  	_ =	shalt  }
0x6d: {  	_ =	shalt  }
0x6e: {  	_ =	shalt  }
0x6f: {  	_ =	shalt  }
0x70: {  	_ =	shalt  }
0x71: {  	_ =	shalt  }
0x72: {  	_ =	shalt  }
0x73: {  	_ =	shalt  }
0x74: {  	_ =	shalt  }
0x75: {  	_ =	shalt  }
0x76: {  	_ =	shalt  }
0x77: {  	_ =	shalt  }
0x78: {  	_ =	shalt  }
0x79: {  	_ =	shalt  }
0x7a: {  	_ =	shalt  }
0x7b: {  	_ =	shalt  }
0x7c: {  	_ =	shalt  }
0x7d: {  	_ =	shalt  }
0x7e: {  	_ =	shalt  }
0x7f: {  	_ =	shalt  }
0x80: {  	_ =	shalt  }
0x81: {  	_ =	shalt  }
0x82: {  	_ =	shalt  }
0x83: {  	_ =	shalt  }
0x84: {  	_ =	shalt  }
0x85: {  	_ =	shalt  }
0x86: {  	_ =	shalt  }
0x87: {  	_ =	shalt  }
.Lfunc_end0:
.L_simem_size_0:
called_computation_lowered:
.L_overlay_start_0:
0x88: {  	s2 =	sld [smem:$0x3FD9]  }
0x89: {  	s3 =	sld [smem:$0x3FFE];
	_ =	sdelay $0x1  }
0x8a: {  	s1 =	srdreg.scid  }
0x8b: {  	s0 =	sand.u32 $0x1, s1  }
0x8c: {  	s17 =	sshll.u32 s0, $0xA;
	s2 =	sadd.s32 s3, s2  }
0x8d: {  	s2 =	sadd.s32 s2, s17  }
0x8e: {  	[smem:$0x3FC1] =	sst s2  }
0x8f: {  	_ = 	snop  }
0x90: {  	s2 =	sld [smem:$0x3FD0];
	(tm) =	ssettm $0x1  }
0x91: {  	s18 =	sld [smem:$0x3FFB];
	_ =	sdelay $0x3  }
0x92: {  	_ =	strace s18  }
0x93: {  	s3 =	sld [smem:$0x3FFC];
	_ =	sdelay $0x3  }
0x94: {  	_ =	strace s3  }
0x95: {  	s3 =	sld [smem:$0x3FFD];
	_ =	sdelay $0x3  }
0x96: {  	_ =	strace s3  }
0x97: {  	_ =	strace $0x8FFFFFFF  }
0x98: {  	s19 =	sld [smem:$0x3FDB];
	_ =	sdelay $0x1  }
0x99: {  	s4 =	simm.s32 $_scs_section_size  }
0x9a: {  	s5 =	simm.s32 $_size__tile_overlayer_lowered;
	s6 =	simm.s32 $_tile_overlayer_lowered  }
0x9b: {  	s22 =	simm.s32 $0x1BFF;
	s21 =	sshll.u32 s6, $0x1;
	s3 =	sadd.s32 s4, s19  }
0x9c: {  	s7 =	simm.s32 $0x0;
	s20 =	sshll.u32 s5, $0x1;
	s5 =	sadd.s32 s21, s3  }
0x9d: {  	[timem:s7], [sflag:s22] =	dma.local [hbm:s5], s20  }
0x9e: {  	_ =	swait.ge [sflag:s22], s20  }
0x9f: {  	s4 =	ssub.s32 $0x0, s20;
	[sflag:s22] =	ssyncset.done $0x0  }
0xa0: {  	[sflag:s22] =	ssyncadd.s32 s4;
	_ =	sdelay $0x1  }
0xa1: {  	s23 =	simm.s32 $0x1B8B  }
0xa2: {  	_ =	swait.ge [sflag:s23], $0x1  }
0xa3: {  	[sflag:s23] =	ssyncset.done $0x0  }
0xa4: {  	s25 =	simm.s32 $0x1B8E;
	s24 =	sld [smem:$0x3FFE];
	[sflag:s23] =	ssyncadd.s32 $0xFFFFFFFF  }
0xa5: {  	s26 =	simm.s32 $execute0_lowered;
	[smem:$0x3FD2] =	sst s25  }
0xa6: {  	s5 =	sshll.u32 s26, $0x1;
	_ =	strace $0x80000046;
	[dreg:$0x1] =	wrdreg $0xFFFFFFFF  }
0xa7: {  	s28 =	simm.s32 $_size_execute0_lowered;
	s3 =	sadd.s32 s3, s5;
	[dreg:$0x0] =	wrdreg $0x0  }
0xa8: {  	s5 =	sshll.u32 s28, $0x1;
	[dreg:$0x2] =	wrdreg s3  }
0xa9: {  	[dreg:$0x3] =	wrdreg s5  }
0xaa: {  	[dreg:$0x4] =	wrdreg $0xC0  }
0xab: {  	_ =	task [dreg:s7], $0x5FFFF  }
0xac: {  	[dreg:$0x1] =	wrdreg $0xFFFFFFFF  }
0xad: {  	[dreg:$0x0] =	wrdreg $0x60  }
0xae: {  	[dreg:$0x2] =	wrdreg s2  }
0xaf: {  	[dreg:$0x3] =	wrdreg s24  }
0xb0: {  	[dreg:$0x4] =	wrdreg $0x9  }
0xb1: {  	_ =	task.clear_ibuf [dreg:s7], $0x5FFFF;
	_ =	strace $0x90000046  }
0xb2: {  	s29 =	simm.s32 $0x9;
	_ =	strace $0x80000048  }
0xb3: {  	_ =	swait.ge [sflag:s29], $0x1  }
0xb4: {  	[sflag:s29] =	ssyncadd.s32 $0xFFFFFFFF  }
0xb5: {  	_ =	strace $0x90000048  }
0xb6: {  	_ =	sfence  }
0xb7: {  	s30 =	sld [smem:$0x0];
	_ =	sdelay $0x2  }
0xb8: {  	s31 =	sshll.u32 s1, $0xD;
	s1 =	sshrl.u32 s1, $0x2  }
0xb9: {  	s3 =	sand.u32 $0x4000, s31;
	s1 =	sadd.s32 s1, s30  }
0xba: {  	s0 =	sor.u32 s3, s0;
	s1 =	sshll.u32 s1, $0x11  }
0xbb: {  	s0 =	sor.u32 s1, s0  }
0xbc: {  	s0 =	sadd.s32 $0x8F2B, s0  }
0xbd: {  	[sflag:s0] =	ssyncadd.remote.s32 $0x1  }
0xbe: {  	_ =	sfence.sel $0xFFFF  }
0xbf: {  	[dreg:$0x0] =	wrdreg $0xFFFFFFFF;
	(pc) =	sbr.abs _section_cstart, $3  }
0xc0: {  	[dreg:$0x1] =	wrdreg $0xFFFFFFFF  }
0xc1: {  	_ =	task.clear_ibuf [dreg:s7], $0x2FFFF;
	_ =	strace $0x9FFFFFFF  }
0xc2: {  	(tm) =	ssettm $0x7FFFFFFF  }
0xc3: {  	_ =	shalt  }
tec
execute0_lowered:
.L_overlay_start_1:
0x0: {  	(tag) =	ssettag $0x1  }
0x1: {  	s1 =	rddreg [dreg:$0x0]  }
0x2: {  	s4 =	rddreg [dreg:$0x1]  }
0x3: {  	s0 =	rddreg [dreg:$0x2];
	s5 =	srdreg.scid  }
0x4: {  	s3 =	simm.s32 $0x0;
	s2 =	stileid.u32;
	s9 =	simm.s32 $0x800  }
0x5: {  	s10 =	simm.s32 $0x1000;
	s11 =	simm.s32 $0x200;
	s12 =	simm.s32 $0x1800  }
0x6: {  	s13 =	simm.s32 $0x300;
	s14 =	simm.s32 $0x2000;
	s15 =	simm.s32 $0x400  }
0x7: {  	s16 =	simm.s32 $0x2800;
	s17 =	simm.s32 $0x500;
	s18 =	simm.s32 $0x3000  }
0x8: {  	s19 =	simm.s32 $0x600;
	s20 =	simm.s32 $0x3800;
	s21 =	simm.s32 $0x700  }
0x9: {  	s22 =	simm.s32 $0x4000;
	s23 =	simm.s32 $0x2;
	s24 =	simm.s32 $0x3  }
0xa: {  	s25 =	simm.s32 $0x0;
	s5 =	sand.u32 $0x1, s5;
	s6 =	sshll.u32 s2, $0x10  }
0xb: {  	[smem:$0x7FF] =	sst s3;
	s7 =	sshll.u32 s5, $0xF;
	s5 =	ssub.s32 $0x2, s5  }
0xc: {  	_ =	strace $0x80000047;
	s6 =	sor.u32 s7, s6;
	s30 =	sshrl.u32 s5, $0x1  }
0xd: {  	s7 =	simm.s32 $0x1;
	s8 =	sshrl.u32 s6, $0x3;
	s5 =	ssub.s32 s5, s30  }
0xe: {  	s6 =	sadd.s32 s6, s4;
	s31 =	sadd.s32 s8, s4;
	s4 =	smax.u32 s5, $0x1  }
0xf: {  	s6 =	sadd.s32 $0x20A00, s6;
	s8 =	simm.s32 $0x100;
	s5 =	sadd.s32 $0xA00, s31  }
.LBB2_1:
0x10: {  	s26 =	sadd.s32 $0x0, s5  }
0x11: {  	[tilespmem:s3], [sflag:$0x1] =	stream.linear.gather [hbm4b:s26+s3], $0x800, $0x38;
	[tilespmem:$0x4800] =	vst v63  }
0x12: {  	_ =	swait.ge [sflag:s7], $0x800  }
0x13: {  	[sflag:s7] =	ssyncset.done $0x0  }
0x14: {  	[sflag:s7] =	ssyncadd.s32 $0xFFFFF800  }
0x15: {  	[tilespmem:s9], [sflag:$0x2] =	stream.indirect.gather [hbm4b:s1+s8], $0x2, s3, s8, $0xb8;
	[tilespmem:$0x4800] =	vst v63  }
0x16: {  	_ = 	snop  }
0x17: {  	[tilespmem:s10], [sflag:$0x2] =	stream.indirect.gather [hbm4b:s1+s8], $0x2, s8, s8, $0xb8;
	[tilespmem:$0x4800] =	vst v63  }
0x18: {  	_ = 	snop  }
0x19: {  	[tilespmem:s12], [sflag:$0x2] =	stream.indirect.gather [hbm4b:s1+s8], $0x2, s11, s8, $0xb8;
	[tilespmem:$0x4800] =	vst v63  }
0x1a: {  	_ = 	snop  }
0x1b: {  	[tilespmem:s14], [sflag:$0x2] =	stream.indirect.gather [hbm4b:s1+s8], $0x2, s13, s8, $0xb8;
	[tilespmem:$0x4800] =	vst v63  }
0x1c: {  	_ = 	snop  }
0x1d: {  	[tilespmem:s16], [sflag:$0x2] =	stream.indirect.gather [hbm4b:s1+s8], $0x2, s15, s8, $0xb8;
	[tilespmem:$0x4800] =	vst v63  }
0x1e: {  	_ = 	snop  }
0x1f: {  	[tilespmem:s18], [sflag:$0x2] =	stream.indirect.gather [hbm4b:s1+s8], $0x2, s17, s8, $0xb8;
	[tilespmem:$0x4800] =	vst v63  }
0x20: {  	_ = 	snop  }
0x21: {  	[tilespmem:s20], [sflag:$0x2] =	stream.indirect.gather [hbm4b:s1+s8], $0x2, s19, s8, $0xb8;
	[tilespmem:$0x4800] =	vst v63  }
0x22: {  	_ = 	snop  }
0x23: {  	[tilespmem:s22], [sflag:$0x2] =	stream.indirect.gather [hbm4b:s1+s8], $0x2, s21, s8, $0xb8;
	[tilespmem:$0x4800] =	vst v63  }
0x24: {  	_ =	swait.ge [sflag:s23], $0x200  }
0x25: {  	[sflag:s23] =	ssyncset.done $0x0  }
0x26: {  	[sflag:s23] =	ssyncadd.s32 $0xFFFFFE00  }
0x27: {  	_ =	swait.ge [sflag:s23], $0x200  }
0x28: {  	[sflag:s23] =	ssyncset.done $0x0  }
0x29: {  	[sflag:s23] =	ssyncadd.s32 $0xFFFFFE00  }
0x2a: {  	_ =	swait.ge [sflag:s23], $0x200  }
0x2b: {  	[sflag:s23] =	ssyncset.done $0x0  }
0x2c: {  	[sflag:s23] =	ssyncadd.s32 $0xFFFFFE00  }
0x2d: {  	_ =	swait.ge [sflag:s23], $0x200  }
0x2e: {  	[sflag:s23] =	ssyncset.done $0x0  }
0x2f: {  	[sflag:s23] =	ssyncadd.s32 $0xFFFFFE00  }
0x30: {  	_ =	swait.ge [sflag:s23], $0x200  }
0x31: {  	[sflag:s23] =	ssyncset.done $0x0  }
0x32: {  	[sflag:s23] =	ssyncadd.s32 $0xFFFFFE00  }
0x33: {  	_ =	swait.ge [sflag:s23], $0x200  }
0x34: {  	[sflag:s23] =	ssyncset.done $0x0  }
0x35: {  	[sflag:s23] =	ssyncadd.s32 $0xFFFFFE00  }
0x36: {  	_ =	swait.ge [sflag:s23], $0x200  }
0x37: {  	[sflag:s23] =	ssyncset.done $0x0  }
0x38: {  	[sflag:s23] =	ssyncadd.s32 $0xFFFFFE00  }
0x39: {  	_ =	swait.ge [sflag:s23], $0x200  }
0x3a: {  	[sflag:s23] =	ssyncset.done $0x0  }
0x3b: {  	[sflag:s23] =	ssyncadd.s32 $0xFFFFFE00  }
0x3c: {  	[hbm4b:s6+s3] =	stream.linear.scatter [tilespmem:s9], [sflag:$0x3], $0x4000, $0x38;
	[tilespmem:$0x4800] =	vst v63  }
0x3d: {  	s28 =	simm.s32 $0x100;
	_ =	swait.ge [sflag:s24], $0x4000  }
0x3e: {  	s30 =	simm.s32 $0x200;
	s26 =	sadd.s32 $0x800, s6;
	[sflag:s24] =	ssyncset.done $0x0  }
.LBB2_2:
0x3f: {  	s31 =	sadd.s32 s28, s5  }
0x40: {  	[sflag:s24] =	ssyncadd.s32 $0xFFFFC000;
	s28 =	smov.u32 s30;
	s29 =	sadd.s32 $0x100, s30  }
0x41: {  	[tilespmem:s3], [sflag:$0x1] =	stream.linear.gather [hbm4b:s31+s3], $0x800, $0x38;
	[tilespmem:$0x4800] =	vst v63  }
0x42: {  	p0 =	sne.s32 s30, $0xF00;
	_ =	swait.ge [sflag:s7], $0x800  }
0x43: {  	[sflag:s7] =	ssyncset.done $0x0  }
0x44: {  	[sflag:s7] =	ssyncadd.s32 $0xFFFFF800  }
0x45: {  	[tilespmem:s9], [sflag:$0x2] =	stream.indirect.gather [hbm4b:s1+s8], $0x2, s3, s8, $0xb8;
	[tilespmem:$0x4800] =	vst v63  }
0x46: {  	_ = 	snop  }
0x47: {  	[tilespmem:s10], [sflag:$0x2] =	stream.indirect.gather [hbm4b:s1+s8], $0x2, s8, s8, $0xb8;
	[tilespmem:$0x4800] =	vst v63  }
0x48: {  	_ = 	snop  }
0x49: {  	[tilespmem:s12], [sflag:$0x2] =	stream.indirect.gather [hbm4b:s1+s8], $0x2, s11, s8, $0xb8;
	[tilespmem:$0x4800] =	vst v63  }
0x4a: {  	_ = 	snop  }
0x4b: {  	[tilespmem:s14], [sflag:$0x2] =	stream.indirect.gather [hbm4b:s1+s8], $0x2, s13, s8, $0xb8;
	[tilespmem:$0x4800] =	vst v63  }
0x4c: {  	_ = 	snop  }
0x4d: {  	[tilespmem:s16], [sflag:$0x2] =	stream.indirect.gather [hbm4b:s1+s8], $0x2, s15, s8, $0xb8;
	[tilespmem:$0x4800] =	vst v63  }
0x4e: {  	_ = 	snop  }
0x4f: {  	[tilespmem:s18], [sflag:$0x2] =	stream.indirect.gather [hbm4b:s1+s8], $0x2, s17, s8, $0xb8;
	[tilespmem:$0x4800] =	vst v63  }
0x50: {  	_ = 	snop  }
0x51: {  	[tilespmem:s20], [sflag:$0x2] =	stream.indirect.gather [hbm4b:s1+s8], $0x2, s19, s8, $0xb8;
	[tilespmem:$0x4800] =	vst v63  }
0x52: {  	_ = 	snop  }
0x53: {  	[tilespmem:s22], [sflag:$0x2] =	stream.indirect.gather [hbm4b:s1+s8], $0x2, s21, s8, $0xb8;
	[tilespmem:$0x4800] =	vst v63  }
0x54: {  	_ =	swait.ge [sflag:s23], $0x200  }
0x55: {  	[sflag:s23] =	ssyncset.done $0x0  }
0x56: {  	[sflag:s23] =	ssyncadd.s32 $0xFFFFFE00  }
0x57: {  	_ =	swait.ge [sflag:s23], $0x200  }
0x58: {  	[sflag:s23] =	ssyncset.done $0x0  }
0x59: {  	[sflag:s23] =	ssyncadd.s32 $0xFFFFFE00  }
0x5a: {  	_ =	swait.ge [sflag:s23], $0x200  }
0x5b: {  	[sflag:s23] =	ssyncset.done $0x0  }
0x5c: {  	[sflag:s23] =	ssyncadd.s32 $0xFFFFFE00  }
0x5d: {  	_ =	swait.ge [sflag:s23], $0x200  }
0x5e: {  	[sflag:s23] =	ssyncset.done $0x0  }
0x5f: {  	[sflag:s23] =	ssyncadd.s32 $0xFFFFFE00  }
0x60: {  	_ =	swait.ge [sflag:s23], $0x200  }
0x61: {  	[sflag:s23] =	ssyncset.done $0x0  }
0x62: {  	[sflag:s23] =	ssyncadd.s32 $0xFFFFFE00  }
0x63: {  	_ =	swait.ge [sflag:s23], $0x200  }
0x64: {  	[sflag:s23] =	ssyncset.done $0x0  }
0x65: {  	[sflag:s23] =	ssyncadd.s32 $0xFFFFFE00  }
0x66: {  	_ =	swait.ge [sflag:s23], $0x200  }
0x67: {  	[sflag:s23] =	ssyncset.done $0x0  }
0x68: {  	[sflag:s23] =	ssyncadd.s32 $0xFFFFFE00  }
0x69: {  	_ =	swait.ge [sflag:s23], $0x200  }
.Ltmp0:
0x6a: {  	[sflag:s23] =	ssyncset.done $0x0;
	(pc) =	sbr.rel @p0 .LBB2_2-.Ltmp0, $4  }
0x6b: {  	[sflag:s23] =	ssyncadd.s32 $0xFFFFFE00  }
0x6c: {  	[hbm4b:s26+s3] =	stream.linear.scatter [tilespmem:s9], [sflag:$0x3], $0x4000, $0x38;
	[tilespmem:$0x4800] =	vst v63  }
0x6d: {  	_ =	swait.ge [sflag:s24], $0x4000  }
0x6e: {  	s30 =	smov.u32 s29;
	s26 =	sadd.s32 $0x800, s26;
	[sflag:s24] =	ssyncset.done $0x0  }
0x6f: {  	s28 =	sadd.s32 s28, s5;
	[sflag:s24] =	ssyncadd.s32 $0xFFFFC000  }
0x70: {  	[tilespmem:s3], [sflag:$0x1] =	stream.linear.gather [hbm4b:s28+s3], $0x800, $0x38;
	[tilespmem:$0x4800] =	vst v63  }
0x71: {  	_ =	swait.ge [sflag:s7], $0x800  }
0x72: {  	[sflag:s7] =	ssyncset.done $0x0  }
0x73: {  	[sflag:s7] =	ssyncadd.s32 $0xFFFFF800  }
0x74: {  	[tilespmem:s9], [sflag:$0x2] =	stream.indirect.gather [hbm4b:s1+s8], $0x2, s3, s8, $0xb8;
	[tilespmem:$0x4800] =	vst v63  }
0x75: {  	_ = 	snop  }
0x76: {  	[tilespmem:s10], [sflag:$0x2] =	stream.indirect.gather [hbm4b:s1+s8], $0x2, s8, s8, $0xb8;
	[tilespmem:$0x4800] =	vst v63  }
0x77: {  	_ = 	snop  }
0x78: {  	[tilespmem:s12], [sflag:$0x2] =	stream.indirect.gather [hbm4b:s1+s8], $0x2, s11, s8, $0xb8;
	[tilespmem:$0x4800] =	vst v63  }
0x79: {  	_ = 	snop  }
0x7a: {  	[tilespmem:s14], [sflag:$0x2] =	stream.indirect.gather [hbm4b:s1+s8], $0x2, s13, s8, $0xb8;
	[tilespmem:$0x4800] =	vst v63  }
0x7b: {  	_ = 	snop  }
0x7c: {  	[tilespmem:s16], [sflag:$0x2] =	stream.indirect.gather [hbm4b:s1+s8], $0x2, s15, s8, $0xb8;
	[tilespmem:$0x4800] =	vst v63  }
0x7d: {  	_ = 	snop  }
0x7e: {  	[tilespmem:s18], [sflag:$0x2] =	stream.indirect.gather [hbm4b:s1+s8], $0x2, s17, s8, $0xb8;
	[tilespmem:$0x4800] =	vst v63  }
0x7f: {  	_ = 	snop  }
0x80: {  	[tilespmem:s20], [sflag:$0x2] =	stream.indirect.gather [hbm4b:s1+s8], $0x2, s19, s8, $0xb8;
	[tilespmem:$0x4800] =	vst v63  }
0x81: {  	_ = 	snop  }
0x82: {  	[tilespmem:s22], [sflag:$0x2] =	stream.indirect.gather [hbm4b:s1+s8], $0x2, s21, s8, $0xb8;
	[tilespmem:$0x4800] =	vst v63  }
0x83: {  	_ =	swait.ge [sflag:s23], $0x200  }
0x84: {  	[sflag:s23] =	ssyncset.done $0x0  }
0x85: {  	[sflag:s23] =	ssyncadd.s32 $0xFFFFFE00  }
0x86: {  	_ =	swait.ge [sflag:s23], $0x200  }
0x87: {  	[sflag:s23] =	ssyncset.done $0x0  }
0x88: {  	[sflag:s23] =	ssyncadd.s32 $0xFFFFFE00  }
0x89: {  	_ =	swait.ge [sflag:s23], $0x200  }
0x8a: {  	[sflag:s23] =	ssyncset.done $0x0  }
0x8b: {  	[sflag:s23] =	ssyncadd.s32 $0xFFFFFE00  }
0x8c: {  	_ =	swait.ge [sflag:s23], $0x200  }
0x8d: {  	[sflag:s23] =	ssyncset.done $0x0  }
0x8e: {  	[sflag:s23] =	ssyncadd.s32 $0xFFFFFE00  }
0x8f: {  	_ =	swait.ge [sflag:s23], $0x200  }
0x90: {  	[sflag:s23] =	ssyncset.done $0x0  }
0x91: {  	[sflag:s23] =	ssyncadd.s32 $0xFFFFFE00  }
0x92: {  	_ =	swait.ge [sflag:s23], $0x200  }
0x93: {  	[sflag:s23] =	ssyncset.done $0x0  }
0x94: {  	[sflag:s23] =	ssyncadd.s32 $0xFFFFFE00  }
0x95: {  	_ =	swait.ge [sflag:s23], $0x200  }
0x96: {  	[sflag:s23] =	ssyncset.done $0x0  }
0x97: {  	[sflag:s23] =	ssyncadd.s32 $0xFFFFFE00  }
0x98: {  	s25 =	sadd.s32 $0x1, s25;
	_ =	swait.ge [sflag:s23], $0x200  }
0x99: {  	p0 =	sne.s32 s25, s4;
	[sflag:s23] =	ssyncset.done $0x0  }
.Ltmp1:
0x9a: {  	[sflag:s23] =	ssyncadd.s32 $0xFFFFFE00;
	(pc) =	sbr.rel @p0 .LBB2_1-.Ltmp1, $4  }
0x9b: {  	[hbm4b:s26+s3] =	stream.linear.scatter [tilespmem:s9], [sflag:$0x3], $0x4000, $0x38;
	[tilespmem:$0x4800] =	vst v63  }
0x9c: {  	_ =	swait.ge [sflag:s24], $0x4000  }
0x9d: {  	[sflag:s24] =	ssyncset.done $0x0  }
0x9e: {  	[sflag:s24] =	ssyncadd.s32 $0xFFFFC000  }
0x9f: {  	_ =	sfence.sel $0x180000  }
0xa0: {  	[bflag:$0x0] =	sbarrier.arrive $0xFFFF  }
0xa1: {  	p0 =	sne.s32 s2, $0x0;
	_ =	strace $0x90000047  }
0xa2: {  	s0 =	sadd.s32 @!p0 $0x100000, s0;
	[bflag:$0x2] =	sbarrier.arrive $0xFFFF  }
0xa3: {  	[sflag:s0] =	ssyncadd.tile.s32 @!p0 $0x1;
	_ =	shalt  }
.Lfunc_end2:
_tile_overlayer_lowered:
.L_overlay_start_2:
0xa4: {  	(tag) =	ssettag $0x2  }
0xa5: {  	s0 =	rddreg [dreg:$0x0];
	s2 =	stileid.u32  }
0xa6: {  	s1 =	rddreg [dreg:$0x1];
	p0 =	sne.s32 s2, $0x0  }
0xa7: {  	s3 =	rddreg [dreg:$0x2];
	[bflag:$0x3] =	sbarrier.arrive $0xFFFF;
	s2 =	simm.s32 @!p0 $0x1C04  }
0xa8: {  	[timem:s3], [sflag:s2] =	dma.local @!p0 [hbm:s0], s1  }
0xa9: {  	s0 =	simm.s32 @!p0 $0x4  }
0xaa: {  	_ =	swait.ge @!p0 [sflag:s0], s1  }
0xab: {  	s1 =	ssub.s32 @!p0 $0x0, s1;
	[sflag:s0] =	ssyncset.done @!p0 $0x0  }
0xac: {  	[sflag:s0] =	ssyncadd.s32 @!p0 s1  }
0xad: {  	[bflag:$0x3] =	sbarrier.arrive $0xFFFF  }
0xae: {  	_ =	shalt  }

</sc_bundles>
